<compile_context>
chip_gen: v7x
topology: tpu7x:2x2x1
jax: 0.10.2.dev20260603
libtpu: 0.0.44.dev20260713+nightly
codegen_flags: <defaults>
</compile_context>

<pallas_src>
import functools

import jax
import jax.numpy as jnp
from jax import lax
from jax.experimental import pallas as pl
from jax.experimental.pallas import tpu as pltpu
from jax.experimental.pallas import tpu_sc as plsc

N_GRAPH = 256
BLOCK = 10000
CHUNK = 128
NC = 2
NS = 16


def _mlp_body(hT_ref, h0_ref, W1_ref, b1_ref, W2_ref, b2_ref, rv_ref):
    x = jnp.concatenate([hT_ref[...], h0_ref[...]], axis=1)

    def dot(a, b):
        return jax.lax.dot_general(a, b, (((1,), (0,)), ((), ())),
                                   preferred_element_type=jnp.float32)

    p = jnp.maximum(dot(x, W1_ref[...]) + b1_ref[...], 0.0)
    q = dot(p, W2_ref[...]) + b2_ref[...]
    rv_ref[...] = jax.nn.sigmoid(q[:, :128]) * q[:, 128:]


def _sc_seg_sum(rv_hbm, seg_hbm, zero_hbm, out_hbm, rows_v, idx_v, acc_sh):
    c = lax.axis_index("c")
    s = lax.axis_index("s")
    wid = c * NS + s
    n = rv_hbm.shape[0]
    n_full = n // CHUNK
    n_iter = (n_full + 1 + NC * NS - 1) // (NC * NS)

    @pl.when(s == 0)
    def _():
        pltpu.sync_copy(zero_hbm, acc_sh)
    plsc.subcore_barrier()

    def body(k, carry):
        chunk_id = wid + k * (NC * NS)
        r0 = chunk_id * CHUNK

        @pl.when(chunk_id < n_full)
        def _():
            pltpu.sync_copy(rv_hbm.at[pl.ds(r0, CHUNK)], rows_v)
            pltpu.sync_copy(seg_hbm.at[pl.ds(r0, CHUNK)], idx_v)
            pltpu.sync_copy(rows_v, acc_sh.at[idx_v], add=True)

        @pl.when(chunk_id == n_full)
        def _():
            pltpu.sync_copy(rv_hbm.at[pl.ds(r0, 32)],
                            rows_v.at[pl.ds(0, 32)])
            pltpu.sync_copy(seg_hbm.at[pl.ds(r0, 32)],
                            idx_v.at[pl.ds(0, 32)])
            pltpu.sync_copy(rows_v.at[pl.ds(0, 32)],
                            acc_sh.at[idx_v.at[pl.ds(0, 32)]], add=True)

        return carry

    lax.fori_loop(0, n_iter, body, 0)
    plsc.subcore_barrier()

    @pl.when(s == 0)
    def _():
        pltpu.sync_copy(acc_sh, out_hbm.at[c])


def kernel(h_T, h_0, graph_index, Wi1, bi1, Wi2, bi2, Wj1, bj1, Wj2, bj2):
    n, d = h_T.shape
    grid = n // BLOCK

    z = jnp.zeros((d, d), jnp.float32)
    W1 = jnp.concatenate([
        jnp.concatenate([Wi1[:d], Wj1], axis=1),
        jnp.concatenate([Wi1[d:], z], axis=1)], axis=0)
    b1 = jnp.concatenate([bi1, bj1]).reshape(1, -1)
    W2 = jnp.concatenate([
        jnp.concatenate([Wi2, z], axis=1),
        jnp.concatenate([z, Wj2], axis=1)], axis=0)
    b2 = jnp.concatenate([bi2, bj2]).reshape(1, -1)

    row_spec = pl.BlockSpec((BLOCK, d), lambda i: (i, 0))
    full = lambda a: pl.BlockSpec(a.shape, lambda i: (0,) * a.ndim)

    r_v = pl.pallas_call(
        _mlp_body,
        grid=(grid,),
        in_specs=[row_spec, row_spec, full(W1), full(b1), full(W2), full(b2)],
        out_specs=row_spec,
        out_shape=jax.ShapeDtypeStruct((n, d), jnp.float32),
        compiler_params=pltpu.CompilerParams(
            dimension_semantics=("arbitrary",)),
    )(h_T, h_0, W1, b1, W2, b2)

    zero = jnp.zeros((N_GRAPH, d), jnp.float32)
    mesh = plsc.VectorSubcoreMesh(core_axis_name="c", subcore_axis_name="s")
    parts = functools.partial(
        pl.kernel, mesh=mesh,
        out_type=jax.ShapeDtypeStruct((NC, N_GRAPH, d), jnp.float32),
        scratch_types=[
            pltpu.VMEM((CHUNK, d), jnp.float32),
            pltpu.VMEM((CHUNK,), jnp.int32),
            pltpu.VMEM_SHARED((N_GRAPH, d), jnp.float32),
        ],
    )(_sc_seg_sum)(r_v, graph_index, zero)
    return parts[0] + parts[1]

# --- scband reference (transcript-rebuilt; emitter-appended) ---
"""Pipeline reference for scband-readout-function-8796093022561 (READ-ONLY COPY).

The authoritative reference and input builder live on the scoring server;
editing this copy changes nothing except your own understanding.
"""

import jax, jax.numpy as jnp
import numpy as np


def _mlp(x, W1, b1, W2, b2):
    h = jax.nn.relu(x @ W1 + b1)
    return h @ W2 + b2


def setup_inputs(seed: int = 0) -> dict:
    key = jax.random.key(seed)
    ks = jax.random.split(key, 12)
    N, n_dim, g_dim, H = 100000, 128, 128, 128
    h_T = jax.random.normal(ks[0], (N, n_dim), dtype=jnp.float32)
    h_0 = jax.random.normal(ks[1], (N, n_dim), dtype=jnp.float32)
    graph_index = jnp.sort(jax.random.randint(ks[2], (N,), 0, 256, dtype=jnp.int32))
    # i_net: NNet(n_in=2*n_dim, n_out=g_dim, hlayers=[128])
    Wi1 = jax.random.normal(ks[3], (2 * n_dim, H), dtype=jnp.float32) / np.sqrt(2 * n_dim)
    bi1 = jnp.zeros((H,), dtype=jnp.float32)
    Wi2 = jax.random.normal(ks[4], (H, g_dim), dtype=jnp.float32) / np.sqrt(H)
    bi2 = jnp.zeros((g_dim,), dtype=jnp.float32)
    # j_net: NNet(n_in=n_dim, n_out=g_dim, hlayers=[128])
    Wj1 = jax.random.normal(ks[5], (n_dim, H), dtype=jnp.float32) / np.sqrt(n_dim)
    bj1 = jnp.zeros((H,), dtype=jnp.float32)
    Wj2 = jax.random.normal(ks[6], (H, g_dim), dtype=jnp.float32) / np.sqrt(H)
    bj2 = jnp.zeros((g_dim,), dtype=jnp.float32)
    return {"h_T": h_T, "h_0": h_0, "graph_index": graph_index,
            "Wi1": Wi1, "bi1": bi1, "Wi2": Wi2, "bi2": bi2,
            "Wj1": Wj1, "bj1": bj1, "Wj2": Wj2, "bj2": bj2}


def reference(h_T, h_0, graph_index, Wi1, bi1, Wi2, bi2, Wj1, bj1, Wj2, bj2):
    h_T0 = jnp.concatenate([h_T, h_0], axis=1)
    i_h_T0 = jax.nn.sigmoid(_mlp(h_T0, Wi1, bi1, Wi2, bi2))
    j_h_T = _mlp(h_T, Wj1, bj1, Wj2, bj2)
    R_v = i_h_T0 * j_h_T
    n_graph = 256
    R = jax.ops.segment_sum(R_v, graph_index, num_segments=n_graph)
    return R

if __name__ == "__main__":
    import jax
    _d = setup_inputs()
    print(jax.jit(kernel)(*tuple(_d.values())))

</pallas_src>

<mosaic_0001>
#map = affine_map<(d0, d1) -> (0, 0)>
#map1 = affine_map<(d0, d1) -> (0)>
#map2 = affine_map<(d0, d1) -> (0, 0, 0)>
module attributes {stable_mosaic.version = 14 : i64} {
  func.func @_sc_seg_sum(%arg0: i32, %arg1: i32, %arg2: memref<100000x128xf32, #tpu.memory_space<hbm>>, %arg3: memref<100000xi32, #tpu.memory_space<hbm>>, %arg4: memref<256x128xf32, #tpu.memory_space<hbm>>, %arg5: memref<2x256x128xf32, #tpu.memory_space<hbm>>, %arg6: memref<128x128xf32, #tpu.memory_space<vmem>>, %arg7: memref<128xi32, #tpu.memory_space<vmem>>, %arg8: memref<256x128xf32, #tpu.memory_space<vmem_shared>>) attributes {dimension_semantics = [#tpu.dimension_semantics<core_parallel>, #tpu.dimension_semantics<subcore_parallel>], iteration_bounds = array<i64: 2, 16>, scalar_prefetch = 0 : i64, scratch_operands = 3 : i64, tpu.core_type = #tpu.core_type<sc_vector_subcore>, window_params = [{transform_indices = #map}, {transform_indices = #map1}, {transform_indices = #map}, {transform_indices = #map2}]} {
    %mul3A = arith.constant 16 : i32
    %mul3A_0 = arith.muli %arg0, %mul3A : i32
    %add3A = arith.addi %mul3A_0, %arg1 : i32
    %eq3A = arith.constant 0 : i32
    %eq3A_1 = arith.cmpi eq, %arg1, %eq3A : i32
    %convert_element_type3A = arith.extui %eq3A_1 : i1 to i32
    %cond3A = arith.constant 0 : i32
    %cond3A_2 = arith.cmpi ne, %convert_element_type3A, %cond3A : i32
    scf.if %cond3A_2 {
      "tpu.region"() ({
        %run_scoped3A = tpu.sem_alloc : memref<!tpu.dma_semaphore, #tpu.memory_space<semaphore_mem>>
        tpu.enqueue_dma source(%arg4 : memref<256x128xf32, #tpu.memory_space<hbm>>) target(%arg8 : memref<256x128xf32, #tpu.memory_space<vmem_shared>>) target_semaphore(%run_scoped3A : memref<!tpu.dma_semaphore, #tpu.memory_space<semaphore_mem>>)
        tpu.wait_dma2 semaphore(%run_scoped3A : memref<!tpu.dma_semaphore, #tpu.memory_space<semaphore_mem>>) src(%arg4 : memref<256x128xf32, #tpu.memory_space<hbm>>) dst(%arg8 : memref<256x128xf32, #tpu.memory_space<vmem_shared>>)
        tpu.yield
      }) : () -> ()
    } else {
    }
    %barrier3A = arith.constant 0 : index
    tpu.barrier barrier_id(%barrier3A)
    %scan3A = arith.constant 0 : i32
    %scan3A_3 = arith.constant 0 : i32
    %scan3A_4 = arith.constant 25 : i32
    %scan3A_5 = arith.addi %scan3A_3, %scan3A_4 : i32
    %scan3A_6 = arith.constant 1 : i32
    scf.for %scan3A_14 = %scan3A_3 to %scan3A_5 step %scan3A_6  : i32 {
      %mul3A_15 = arith.constant 32 : i32
      %mul3A_16 = arith.muli %scan3A_14, %mul3A_15 : i32
      %add3A_17 = arith.addi %add3A, %mul3A_16 : i32
      %mul3A_18 = arith.constant 128 : i32
      %mul3A_19 = arith.muli %add3A_17, %mul3A_18 : i32
      %lt3A = arith.constant 781 : i32
      %lt3A_20 = arith.cmpi slt, %add3A_17, %lt3A : i32
      %convert_element_type3A_21 = arith.extui %lt3A_20 : i1 to i32
      %cond3A_22 = arith.constant 0 : i32
      %cond3A_23 = arith.cmpi ne, %convert_element_type3A_21, %cond3A_22 : i32
      scf.if %cond3A_23 {
        "tpu.region"() ({
          %run_scoped3A = tpu.sem_alloc : memref<!tpu.dma_semaphore, #tpu.memory_space<semaphore_mem>>
          %dma_start3A = arith.constant 0 : i32
          %dma_start3A_29 = tpu.memref_slice %arg2[%mul3A_19, %dma_start3A] : memref<100000x128xf32, #tpu.memory_space<hbm>> -> memref<128x128xf32, #tpu.memory_space<hbm>>
          %dma_start3A_30 = arith.constant 0 : i32
          %dma_start3A_31 = tpu.memref_slice %arg2[%mul3A_19, %dma_start3A_30] : memref<100000x128xf32, #tpu.memory_space<hbm>> -> memref<128x128xf32, #tpu.memory_space<hbm>>
          tpu.enqueue_dma source(%dma_start3A_31 : memref<128x128xf32, #tpu.memory_space<hbm>>) target(%arg6 : memref<128x128xf32, #tpu.memory_space<vmem>>) target_semaphore(%run_scoped3A : memref<!tpu.dma_semaphore, #tpu.memory_space<semaphore_mem>>)
          %dma_wait3A = arith.constant 0 : i32
          %dma_wait3A_32 = tpu.memref_slice %arg2[%mul3A_19, %dma_wait3A] : memref<100000x128xf32, #tpu.memory_space<hbm>> -> memref<128x128xf32, #tpu.memory_space<hbm>>
          %dma_wait3A_33 = arith.constant 0 : i32
          %dma_wait3A_34 = tpu.memref_slice %arg2[%mul3A_19, %dma_wait3A_33] : memref<100000x128xf32, #tpu.memory_space<hbm>> -> memref<128x128xf32, #tpu.memory_space<hbm>>
          tpu.wait_dma2 semaphore(%run_scoped3A : memref<!tpu.dma_semaphore, #tpu.memory_space<semaphore_mem>>) src(%dma_wait3A_34 : memref<128x128xf32, #tpu.memory_space<hbm>>) dst(%arg6 : memref<128x128xf32, #tpu.memory_space<vmem>>)
          tpu.yield
        }) : () -> ()
        "tpu.region"() ({
          %run_scoped3A = tpu.sem_alloc : memref<!tpu.dma_semaphore, #tpu.memory_space<semaphore_mem>>
          %dma_start3A = tpu.memref_slice %arg3[%mul3A_19] : memref<100000xi32, #tpu.memory_space<hbm>> -> memref<128xi32, #tpu.memory_space<hbm>>
          %dma_start3A_29 = tpu.memref_slice %arg3[%mul3A_19] : memref<100000xi32, #tpu.memory_space<hbm>> -> memref<128xi32, #tpu.memory_space<hbm>>
          tpu.enqueue_dma source(%dma_start3A_29 : memref<128xi32, #tpu.memory_space<hbm>>) target(%arg7 : memref<128xi32, #tpu.memory_space<vmem>>) target_semaphore(%run_scoped3A : memref<!tpu.dma_semaphore, #tpu.memory_space<semaphore_mem>>)
          %dma_wait3A = tpu.memref_slice %arg3[%mul3A_19] : memref<100000xi32, #tpu.memory_space<hbm>> -> memref<128xi32, #tpu.memory_space<hbm>>
          %dma_wait3A_30 = tpu.memref_slice %arg3[%mul3A_19] : memref<100000xi32, #tpu.memory_space<hbm>> -> memref<128xi32, #tpu.memory_space<hbm>>
          tpu.wait_dma2 semaphore(%run_scoped3A : memref<!tpu.dma_semaphore, #tpu.memory_space<semaphore_mem>>) src(%dma_wait3A_30 : memref<128xi32, #tpu.memory_space<hbm>>) dst(%arg7 : memref<128xi32, #tpu.memory_space<vmem>>)
          tpu.yield
        }) : () -> ()
        "tpu.region"() ({
          %run_scoped3A = tpu.sem_alloc : memref<!tpu.dma_semaphore, #tpu.memory_space<semaphore_mem>>
          %dma_start3A = arith.constant 0 : i32
          %dma_start3A_29 = arith.constant 0 : i32
          %dma_start3A_30 = tpu.memref_slice %arg8[%dma_start3A, %dma_start3A_29] : memref<256x128xf32, #tpu.memory_space<vmem_shared>> -> memref<256x128xf32, #tpu.memory_space<vmem_shared>>
          tpu.enqueue_indirect_dma source(%arg6 : memref<128x128xf32, #tpu.memory_space<vmem>>) target(%dma_start3A_30 : memref<256x128xf32, #tpu.memory_space<vmem_shared>>) offsets(%arg7 : memref<128xi32, #tpu.memory_space<vmem>>) semaphore(%run_scoped3A : memref<!tpu.dma_semaphore, #tpu.memory_space<semaphore_mem>>) {add = true}
          %dma_wait3A = arith.constant 0 : i32
          %dma_wait3A_31 = arith.constant 0 : i32
          %dma_wait3A_32 = tpu.memref_slice %arg8[%dma_wait3A, %dma_wait3A_31] : memref<256x128xf32, #tpu.memory_space<vmem_shared>> -> memref<256x128xf32, #tpu.memory_space<vmem_shared>>
          tpu.wait_indirect_dma semaphore(%run_scoped3A : memref<!tpu.dma_semaphore, #tpu.memory_space<semaphore_mem>>) src(%arg6 : memref<128x128xf32, #tpu.memory_space<vmem>>) dst(%dma_wait3A_32 : memref<256x128xf32, #tpu.memory_space<vmem_shared>>)
          tpu.yield
        }) : () -> ()
      } else {
      }
      %eq3A_24 = arith.constant 781 : i32
      %eq3A_25 = arith.cmpi eq, %add3A_17, %eq3A_24 : i32
      %convert_element_type3A_26 = arith.extui %eq3A_25 : i1 to i32
      %cond3A_27 = arith.constant 0 : i32
      %cond3A_28 = arith.cmpi ne, %convert_element_type3A_26, %cond3A_27 : i32
      scf.if %cond3A_28 {
        "tpu.region"() ({
          %run_scoped3A = tpu.sem_alloc : memref<!tpu.dma_semaphore, #tpu.memory_space<semaphore_mem>>
          %dma_start3A = arith.constant 0 : i32
          %dma_start3A_29 = arith.constant 0 : i32
          %dma_start3A_30 = tpu.memref_slice %arg6[%dma_start3A, %dma_start3A_29] : memref<128x128xf32, #tpu.memory_space<vmem>> -> memref<32x128xf32, #tpu.memory_space<vmem>>
          %dma_start3A_31 = arith.constant 0 : i32
          %dma_start3A_32 = tpu.memref_slice %arg2[%mul3A_19, %dma_start3A_31] : memref<100000x128xf32, #tpu.memory_space<hbm>> -> memref<32x128xf32, #tpu.memory_space<hbm>>
          %dma_start3A_33 = arith.constant 0 : i32
          %dma_start3A_34 = arith.constant 0 : i32
          %dma_start3A_35 = tpu.memref_slice %arg6[%dma_start3A_33, %dma_start3A_34] : memref<128x128xf32, #tpu.memory_space<vmem>> -> memref<32x128xf32, #tpu.memory_space<vmem>>
          %dma_start3A_36 = arith.constant 0 : i32
          %dma_start3A_37 = tpu.memref_slice %arg2[%mul3A_19, %dma_start3A_36] : memref<100000x128xf32, #tpu.memory_space<hbm>> -> memref<32x128xf32, #tpu.memory_space<hbm>>
          tpu.enqueue_dma source(%dma_start3A_37 : memref<32x128xf32, #tpu.memory_space<hbm>>) target(%dma_start3A_35 : memref<32x128xf32, #tpu.memory_space<vmem>>) target_semaphore(%run_scoped3A : memref<!tpu.dma_semaphore, #tpu.memory_space<semaphore_mem>>)
          %dma_wait3A = arith.constant 0 : i32
          %dma_wait3A_38 = arith.constant 0 : i32
          %dma_wait3A_39 = tpu.memref_slice %arg6[%dma_wait3A, %dma_wait3A_38] : memref<128x128xf32, #tpu.memory_space<vmem>> -> memref<32x128xf32, #tpu.memory_space<vmem>>
          %dma_wait3A_40 = arith.constant 0 : i32
          %dma_wait3A_41 = tpu.memref_slice %arg2[%mul3A_19, %dma_wait3A_40] : memref<100000x128xf32, #tpu.memory_space<hbm>> -> memref<32x128xf32, #tpu.memory_space<hbm>>
          %dma_wait3A_42 = arith.constant 0 : i32
          %dma_wait3A_43 = arith.constant 0 : i32
          %dma_wait3A_44 = tpu.memref_slice %arg6[%dma_wait3A_42, %dma_wait3A_43] : memref<128x128xf32, #tpu.memory_space<vmem>> -> memref<32x128xf32, #tpu.memory_space<vmem>>
          %dma_wait3A_45 = arith.constant 0 : i32
          %dma_wait3A_46 = tpu.memref_slice %arg2[%mul3A_19, %dma_wait3A_45] : memref<100000x128xf32, #tpu.memory_space<hbm>> -> memref<32x128xf32, #tpu.memory_space<hbm>>
          tpu.wait_dma2 semaphore(%run_scoped3A : memref<!tpu.dma_semaphore, #tpu.memory_space<semaphore_mem>>) src(%dma_wait3A_46 : memref<32x128xf32, #tpu.memory_space<hbm>>) dst(%dma_wait3A_44 : memref<32x128xf32, #tpu.memory_space<vmem>>)
          tpu.yield
        }) : () -> ()
        "tpu.region"() ({
          %run_scoped3A = tpu.sem_alloc : memref<!tpu.dma_semaphore, #tpu.memory_space<semaphore_mem>>
          %dma_start3A = arith.constant 0 : i32
          %dma_start3A_29 = tpu.memref_slice %arg7[%dma_start3A] : memref<128xi32, #tpu.memory_space<vmem>> -> memref<32xi32, #tpu.memory_space<vmem>>
          %dma_start3A_30 = tpu.memref_slice %arg3[%mul3A_19] : memref<100000xi32, #tpu.memory_space<hbm>> -> memref<32xi32, #tpu.memory_space<hbm>>
          %dma_start3A_31 = arith.constant 0 : i32
          %dma_start3A_32 = tpu.memref_slice %arg7[%dma_start3A_31] : memref<128xi32, #tpu.memory_space<vmem>> -> memref<32xi32, #tpu.memory_space<vmem>>
          %dma_start3A_33 = tpu.memref_slice %arg3[%mul3A_19] : memref<100000xi32, #tpu.memory_space<hbm>> -> memref<32xi32, #tpu.memory_space<hbm>>
          tpu.enqueue_dma source(%dma_start3A_33 : memref<32xi32, #tpu.memory_space<hbm>>) target(%dma_start3A_32 : memref<32xi32, #tpu.memory_space<vmem>>) target_semaphore(%run_scoped3A : memref<!tpu.dma_semaphore, #tpu.memory_space<semaphore_mem>>)
          %dma_wait3A = arith.constant 0 : i32
          %dma_wait3A_34 = tpu.memref_slice %arg7[%dma_wait3A] : memref<128xi32, #tpu.memory_space<vmem>> -> memref<32xi32, #tpu.memory_space<vmem>>
          %dma_wait3A_35 = tpu.memref_slice %arg3[%mul3A_19] : memref<100000xi32, #tpu.memory_space<hbm>> -> memref<32xi32, #tpu.memory_space<hbm>>
          %dma_wait3A_36 = arith.constant 0 : i32
          %dma_wait3A_37 = tpu.memref_slice %arg7[%dma_wait3A_36] : memref<128xi32, #tpu.memory_space<vmem>> -> memref<32xi32, #tpu.memory_space<vmem>>
          %dma_wait3A_38 = tpu.memref_slice %arg3[%mul3A_19] : memref<100000xi32, #tpu.memory_space<hbm>> -> memref<32xi32, #tpu.memory_space<hbm>>
          tpu.wait_dma2 semaphore(%run_scoped3A : memref<!tpu.dma_semaphore, #tpu.memory_space<semaphore_mem>>) src(%dma_wait3A_38 : memref<32xi32, #tpu.memory_space<hbm>>) dst(%dma_wait3A_37 : memref<32xi32, #tpu.memory_space<vmem>>)
          tpu.yield
        }) : () -> ()
        "tpu.region"() ({
          %run_scoped3A = tpu.sem_alloc : memref<!tpu.dma_semaphore, #tpu.memory_space<semaphore_mem>>
          %dma_start3A = arith.constant 0 : i32
          %dma_start3A_29 = arith.constant 0 : i32
          %dma_start3A_30 = tpu.memref_slice %arg6[%dma_start3A, %dma_start3A_29] : memref<128x128xf32, #tpu.memory_space<vmem>> -> memref<32x128xf32, #tpu.memory_space<vmem>>
          %dma_start3A_31 = arith.constant 0 : i32
          %dma_start3A_32 = tpu.memref_slice %arg7[%dma_start3A_31] : memref<128xi32, #tpu.memory_space<vmem>> -> memref<32xi32, #tpu.memory_space<vmem>>
          %dma_start3A_33 = arith.constant 0 : i32
          %dma_start3A_34 = arith.constant 0 : i32
          %dma_start3A_35 = tpu.memref_slice %arg8[%dma_start3A_33, %dma_start3A_34] : memref<256x128xf32, #tpu.memory_space<vmem_shared>> -> memref<256x128xf32, #tpu.memory_space<vmem_shared>>
          tpu.enqueue_indirect_dma source(%dma_start3A_30 : memref<32x128xf32, #tpu.memory_space<vmem>>) target(%dma_start3A_35 : memref<256x128xf32, #tpu.memory_space<vmem_shared>>) offsets(%dma_start3A_32 : memref<32xi32, #tpu.memory_space<vmem>>) semaphore(%run_scoped3A : memref<!tpu.dma_semaphore, #tpu.memory_space<semaphore_mem>>) {add = true}
          %dma_wait3A = arith.constant 0 : i32
          %dma_wait3A_36 = arith.constant 0 : i32
          %dma_wait3A_37 = tpu.memref_slice %arg6[%dma_wait3A, %dma_wait3A_36] : memref<128x128xf32, #tpu.memory_space<vmem>> -> memref<32x128xf32, #tpu.memory_space<vmem>>
          %dma_wait3A_38 = arith.constant 0 : i32
          %dma_wait3A_39 = tpu.memref_slice %arg7[%dma_wait3A_38] : memref<128xi32, #tpu.memory_space<vmem>> -> memref<32xi32, #tpu.memory_space<vmem>>
          %dma_wait3A_40 = arith.constant 0 : i32
          %dma_wait3A_41 = arith.constant 0 : i32
          %dma_wait3A_42 = tpu.memref_slice %arg8[%dma_wait3A_40, %dma_wait3A_41] : memref<256x128xf32, #tpu.memory_space<vmem_shared>> -> memref<256x128xf32, #tpu.memory_space<vmem_shared>>
          tpu.wait_indirect_dma semaphore(%run_scoped3A : memref<!tpu.dma_semaphore, #tpu.memory_space<semaphore_mem>>) src(%dma_wait3A_37 : memref<32x128xf32, #tpu.memory_space<vmem>>) dst(%dma_wait3A_42 : memref<256x128xf32, #tpu.memory_space<vmem_shared>>)
          tpu.yield
        }) : () -> ()
      } else {
      }
    }
    %scan3A_7 = arith.constant 25 : i32
    %barrier3A_8 = arith.constant 0 : index
    tpu.barrier barrier_id(%barrier3A_8)
    %eq3A_9 = arith.constant 0 : i32
    %eq3A_10 = arith.cmpi eq, %arg1, %eq3A_9 : i32
    %convert_element_type3A_11 = arith.extui %eq3A_10 : i1 to i32
    %cond3A_12 = arith.constant 0 : i32
    %cond3A_13 = arith.cmpi ne, %convert_element_type3A_11, %cond3A_12 : i32
    scf.if %cond3A_13 {
      "tpu.region"() ({
        %run_scoped3A = tpu.sem_alloc : memref<!tpu.dma_semaphore, #tpu.memory_space<semaphore_mem>>
        %dma_start3A = arith.constant 0 : i32
        %dma_start3A_14 = arith.constant 0 : i32
        %dma_start3A_15 = tpu.memref_slice %arg5[%arg0, %dma_start3A, %dma_start3A_14] : memref<2x256x128xf32, #tpu.memory_space<hbm>> -> memref<1x256x128xf32, #tpu.memory_space<hbm>>
        %dma_start3A_16 = tpu.memref_squeeze %dma_start3A_15 : memref<1x256x128xf32, #tpu.memory_space<hbm>> -> memref<256x128xf32, #tpu.memory_space<hbm>>
        tpu.enqueue_dma source(%arg8 : memref<256x128xf32, #tpu.memory_space<vmem_shared>>) target(%dma_start3A_16 : memref<256x128xf32, #tpu.memory_space<hbm>>) target_semaphore(%run_scoped3A : memref<!tpu.dma_semaphore, #tpu.memory_space<semaphore_mem>>)
        %dma_wait3A = arith.constant 0 : i32
        %dma_wait3A_17 = arith.constant 0 : i32
        %dma_wait3A_18 = tpu.memref_slice %arg5[%arg0, %dma_wait3A, %dma_wait3A_17] : memref<2x256x128xf32, #tpu.memory_space<hbm>> -> memref<1x256x128xf32, #tpu.memory_space<hbm>>
        %dma_wait3A_19 = tpu.memref_squeeze %dma_wait3A_18 : memref<1x256x128xf32, #tpu.memory_space<hbm>> -> memref<256x128xf32, #tpu.memory_space<hbm>>
        tpu.wait_dma2 semaphore(%run_scoped3A : memref<!tpu.dma_semaphore, #tpu.memory_space<semaphore_mem>>) src(%arg8 : memref<256x128xf32, #tpu.memory_space<vmem_shared>>) dst(%dma_wait3A_19 : memref<256x128xf32, #tpu.memory_space<hbm>>)
        tpu.yield
      }) : () -> ()
    } else {
    }
    return
  }
}

module attributes {stable_mosaic.version = 14 : i64} {
  func.func @_mlp_body(%arg0: i32, %arg1: memref<10000x128xf32, #tpu.memory_space<vmem>>, %arg2: memref<10000x128xf32, #tpu.memory_space<vmem>>, %arg3: memref<256x256xf32, #tpu.memory_space<vmem>>, %arg4: memref<1x256xf32, #tpu.memory_space<vmem>>, %arg5: memref<256x256xf32, #tpu.memory_space<vmem>>, %arg6: memref<1x256xf32, #tpu.memory_space<vmem>>, %arg7: memref<10000x128xf32, #tpu.memory_space<vmem>>) attributes {dimension_semantics = [#tpu.dimension_semantics<arbitrary>], iteration_bounds = array<i64: 10>, scalar_prefetch = 0 : i64, scratch_operands = 0 : i64, tpu.core_type = #tpu.core_type<tc>, window_params = [{transform_indices = @transform_0, window_bounds = array<i64: 10000, 128>}, {transform_indices = @transform_1, window_bounds = array<i64: 10000, 128>}, {pipeline_mode = #tpu.pipeline_mode<synchronous>, transform_indices = @transform_2, window_bounds = array<i64: 256, 256>}, {pipeline_mode = #tpu.pipeline_mode<synchronous>, transform_indices = @transform_3, window_bounds = array<i64: 1, 256>}, {pipeline_mode = #tpu.pipeline_mode<synchronous>, transform_indices = @transform_4, window_bounds = array<i64: 256, 256>}, {pipeline_mode = #tpu.pipeline_mode<synchronous>, transform_indices = @transform_5, window_bounds = array<i64: 1, 256>}, {transform_indices = @transform_6, window_bounds = array<i64: 10000, 128>}]} {
    %get3A = arith.constant 0 : index
    %get3A_0 = arith.constant 0 : index
    %get3A_1 = vector.load %arg1[%get3A, %get3A_0] : memref<10000x128xf32, #tpu.memory_space<vmem>>, vector<10000x128xf32>
    %get3A_2 = arith.constant 0 : index
    %get3A_3 = arith.constant 0 : index
    %get3A_4 = vector.load %arg2[%get3A_2, %get3A_3] : memref<10000x128xf32, #tpu.memory_space<vmem>>, vector<10000x128xf32>
    %concatenate3A = tpu.concatenate %get3A_1, %get3A_4 in 1 : vector<10000x128xf32>, vector<10000x128xf32> -> vector<10000x256xf32>
    %get3A_5 = arith.constant 0 : index
    %get3A_6 = arith.constant 0 : index
    %get3A_7 = vector.load %arg3[%get3A_5, %get3A_6] : memref<256x256xf32, #tpu.memory_space<vmem>>, vector<256x256xf32>
    %dot_general3A = arith.constant dense<0.000000e+00> : vector<10000x256xf32>
    %dot_general3A_8 = tpu.matmul %concatenate3A, %get3A_7, %dot_general3A {dimension_numbers = #tpu.dot_dimension_numbers<[1], [0], [0], [1], [0, 0, 1, 1], [], []>, transpose_lhs_hint = false} : vector<10000x256xf32>, vector<256x256xf32>, vector<10000x256xf32> -> vector<10000x256xf32>
    %get3A_9 = arith.constant 0 : index
    %get3A_10 = arith.constant 0 : index
    %get3A_11 = vector.load %arg4[%get3A_9, %get3A_10] : memref<1x256xf32, #tpu.memory_space<vmem>>, vector<1x256xf32>
    %add3A = vector.broadcast %get3A_11 : vector<1x256xf32> to vector<10000x256xf32>
    %add3A_12 = arith.addf %dot_general3A_8, %add3A : vector<10000x256xf32>
    %max3A = arith.constant 0.000000e+00 : f32
    %max3A_13 = vector.broadcast %max3A : f32 to vector<10000x256xf32>
    %max3A_14 = arith.maximumf %add3A_12, %max3A_13 : vector<10000x256xf32>
    %get3A_15 = arith.constant 0 : index
    %get3A_16 = arith.constant 0 : index
    %get3A_17 = vector.load %arg5[%get3A_15, %get3A_16] : memref<256x256xf32, #tpu.memory_space<vmem>>, vector<256x256xf32>
    %dot_general3A_18 = arith.constant dense<0.000000e+00> : vector<10000x256xf32>
    %dot_general3A_19 = tpu.matmul %max3A_14, %get3A_17, %dot_general3A_18 {dimension_numbers = #tpu.dot_dimension_numbers<[1], [0], [0], [1], [0, 0, 1, 1], [], []>, transpose_lhs_hint = false} : vector<10000x256xf32>, vector<256x256xf32>, vector<10000x256xf32> -> vector<10000x256xf32>
    %get3A_20 = arith.constant 0 : index
    %get3A_21 = arith.constant 0 : index
    %get3A_22 = vector.load %arg6[%get3A_20, %get3A_21] : memref<1x256xf32, #tpu.memory_space<vmem>>, vector<1x256xf32>
    %add3A_23 = vector.broadcast %get3A_22 : vector<1x256xf32> to vector<10000x256xf32>
    %add3A_24 = arith.addf %dot_general3A_19, %add3A_23 : vector<10000x256xf32>
    %slice3A = vector.extract_strided_slice %add3A_24 {offsets = [0, 0], sizes = [10000, 128], strides = [1, 1]} : vector<10000x256xf32> to vector<10000x128xf32>
    %logistic3A = arith.negf %slice3A : vector<10000x128xf32>
    %logistic3A_25 = math.exp %logistic3A : vector<10000x128xf32>
    %logistic3A_26 = arith.constant 1.000000e+00 : f32
    %logistic3A_27 = vector.broadcast %logistic3A_26 : f32 to vector<10000x128xf32>
    %logistic3A_28 = arith.addf %logistic3A_27, %logistic3A_25 : vector<10000x128xf32>
    %logistic3A_29 = arith.divf %logistic3A_27, %logistic3A_28 : vector<10000x128xf32>
    %slice3A_30 = vector.extract_strided_slice %add3A_24 {offsets = [0, 128], sizes = [10000, 128], strides = [1, 1]} : vector<10000x256xf32> to vector<10000x128xf32>
    %mul3A = arith.mulf %logistic3A_29, %slice3A_30 : vector<10000x128xf32>
    %swap3A = arith.constant 0 : index
    %swap3A_31 = arith.constant 0 : index
    %swap3A_32 = vector.load %arg7[%swap3A, %swap3A_31] : memref<10000x128xf32, #tpu.memory_space<vmem>>, vector<10000x128xf32>
    tpu.vector_store %arg7[%swap3A, %swap3A_31], %mul3A {strides = array<i32>} : memref<10000x128xf32, #tpu.memory_space<vmem>>, vector<10000x128xf32>,
    return
  }
  func.func @transform_0(%arg0: i32) -> (i32, i32) {
    %c0_i32 = arith.constant 0 : i32
    %c0_i32_0 = arith.constant 0 : i32
    return %arg0, %c0_i32 : i32, i32
  }
  func.func @transform_1(%arg0: i32) -> (i32, i32) {
    %c0_i32 = arith.constant 0 : i32
    %c0_i32_0 = arith.constant 0 : i32
    return %arg0, %c0_i32 : i32, i32
  }
  func.func @transform_2(%arg0: i32) -> (i32, i32) {
    %c0_i32 = arith.constant 0 : i32
    %c0_i32_0 = arith.constant 0 : i32
    %c0_i32_1 = arith.constant 0 : i32
    return %c0_i32, %c0_i32_0 : i32, i32
  }
  func.func @transform_3(%arg0: i32) -> (i32, i32) {
    %c0_i32 = arith.constant 0 : i32
    %c0_i32_0 = arith.constant 0 : i32
    %c0_i32_1 = arith.constant 0 : i32
    return %c0_i32, %c0_i32_0 : i32, i32
  }
  func.func @transform_4(%arg0: i32) -> (i32, i32) {
    %c0_i32 = arith.constant 0 : i32
    %c0_i32_0 = arith.constant 0 : i32
    %c0_i32_1 = arith.constant 0 : i32
    return %c0_i32, %c0_i32_0 : i32, i32
  }
  func.func @transform_5(%arg0: i32) -> (i32, i32) {
    %c0_i32 = arith.constant 0 : i32
    %c0_i32_0 = arith.constant 0 : i32
    %c0_i32_1 = arith.constant 0 : i32
    return %c0_i32, %c0_i32_0 : i32, i32
  }
  func.func @transform_6(%arg0: i32) -> (i32, i32) {
    %c0_i32 = arith.constant 0 : i32
    %c0_i32_0 = arith.constant 0 : i32
    return %arg0, %c0_i32 : i32, i32
  }
}

</mosaic_0001>

<sc_bundles>
// kernel: kernel.4.cloned.1.call-start
scs
__scs_entry_jumppad:
0x0: {  	(pc) =	sbr.rel $0x88, $3  }
0x1: {  	(tag) =	ssettag $0x0;
	lr =	simm.s32 $0x1  }
0x2: {  	[smem:$0x3F96] =	sst lr;
	_ =	strace $0xD0000000  }
0x3: {  	_ = 	snop  }
0x4: {  	_ = 	snop  }
0x5: {  	_ = 	snop  }
0x6: {  	_ = 	snop  }
0x7: {  	_ = 	snop  }
__scs_overlays_trampoline_lowered:
0x8: {  	[smem:$0x3FA5] =	sst s0  }
0x9: {  	[smem:$0x3FA6] =	sst s1  }
0xa: {  	[smem:$0x3FA7] =	sst s2  }
0xb: {  	[smem:$0x3FA8] =	sst s3  }
0xc: {  	[smem:$0x3FA9] =	sst s4  }
0xd: {  	[smem:$0x3FAA] =	sst s5  }
0xe: {  	[smem:$0x3FAB] =	sst s6  }
0xf: {  	[smem:$0x3FAC] =	sst s7  }
0x10: {  	[smem:$0x3FAD] =	sst s8  }
0x11: {  	[smem:$0x3FAE] =	sst s9;
	s0 =	simm.s32 @!p0 $0x0  }
0x12: {  	s1 =	sld [smem:$0x3F94];
	s0 =	simm.s32 @p0 $0x1  }
0x13: {  	[smem:$0x3FAF] =	sst s0;
	s0 =	simm.s32 @!p1 $0x0  }
0x14: {  	s2 =	sld [smem:$0x3F93];
	s0 =	simm.s32 @p1 $0x1  }
0x15: {  	[smem:$0x3FB0] =	sst s0;
	s0 =	simm.s32 @!p2 $0x0  }
0x16: {  	s3 =	sld [smem:$0x3FDB];
	s0 =	simm.s32 @p2 $0x1  }
0x17: {  	s4 =	simm.s32 $0x1BF5;
	[smem:$0x3FB2] =	sst s0  }
0x18: {  	s0 =	sld [smem:$0x3F95];
	_ =	swait.ge [sflag:s4], $0x0  }
0x19: {  	s7 =	sld [smem:$0x3F96]  }
0x1a: {  	s8 =	sadd.s32 $0xFFFFE003, lr  }
0x1b: {  	s9 =	sadd.s32 $0xFFFFFEF7, lr;
	s5 =	simm.s32 $0xFFFFFFFF;
	p2 =	slt.u32 s8, $0xFFFFF086  }
0x1c: {  	p1 =	slt.u32 s9, $0xF7A;
	s5 =	simm.s32 @!p2 $0x0  }
0x1d: {  	s5 =	simm.s32 @p1 $0x1;
	p0 =	seq.s32 s7, s2  }
0x1e: {  	s7 =	smul.u32 @!p0 $0xF7A, s2;
	p2 =	seq.s32 @!p0 s5, $0x0  }
0x1f: {  	s9 =	smul.u32 $0xF7A, s1;
	s8 =	simm.s32 @!p0 $0x1BF5;
	p2 =	por !p2, p0  }
0x20: {  	[sflag:s8] =	ssyncset.s32 @!p0 $0xFFFFF086;
	s6 =	sadd.s32 @!p0 s3, s7;
	s7 =	simm.s32 @!p0 $0x108  }
0x21: {  	s3 =	sadd.s32 s3, s9;
	s6 =	sadd.s32 @!p0 $0x88, s6;
	s7 =	simm.s32 @p2 $0x1082  }
0x22: {  	[simem:s7], [sflag:s8] =	dma.local @!p0 [hbm:s6], $0xF7A  }
0x23: {  	s9 =	sor.u32 $0xD0000000, s2;
	s6 =	simm.s32 $0x108;
	_ =	swait.ge @!p0 [sflag:s8], $0x0  }
0x24: {  	s3 =	sadd.s32 $0x88, s3;
	s6 =	simm.s32 @!p1 $0x1082;
	[sflag:s4] =	ssyncset.s32 $0xFFFFF086  }
0x25: {  	[simem:s6], [sflag:s4] =	dma.local [hbm:s3], $0xF7A  }
0x26: {  	[smem:$0x3F96] =	sst s1;
	(tag) =	ssettag s2;
	_ =	strace s9  }
0x27: {  	s1 =	sld [smem:$0x3FA6]  }
0x28: {  	s2 =	sld [smem:$0x3FA7]  }
0x29: {  	s4 =	sld [smem:$0x3FA9]  }
0x2a: {  	p0 =	seq.s32 s5, $0x0;
	s5 =	sld [smem:$0x3FAA]  }
0x2b: {  	s6 =	sld [smem:$0x3FAB]  }
0x2c: {  	s7 =	sld [smem:$0x3FAC]  }
0x2d: {  	s3 =	simm.s32 $0x108;
	s8 =	sld [smem:$0x3FAD]  }
0x2e: {  	s3 =	simm.s32 @!p0 $0x1082;
	s9 =	sld [smem:$0x3FAE]  }
0x2f: {  	lr =	sadd.s32 s0, s3;
	s0 =	sld [smem:$0x3FA5]  }
0x30: {  	s3 =	sld [smem:$0x3FA8]  }
0x31: {  	[smem:$0x3FB1] =	sst s10  }
0x32: {  	s10 =	sld [smem:$0x3FAF];
	_ =	sdelay $0x3  }
0x33: {  	p0 =	seq.s32 s10, $0x1;
	s10 =	sld [smem:$0x3FB1];
	_ =	sdelay $0x3  }
0x34: {  	[smem:$0x3FB1] =	sst s10  }
0x35: {  	s10 =	sld [smem:$0x3FB0];
	_ =	sdelay $0x3  }
0x36: {  	p1 =	seq.s32 s10, $0x1;
	s10 =	sld [smem:$0x3FB1];
	_ =	sdelay $0x3  }
0x37: {  	[smem:$0x3FB1] =	sst s10  }
0x38: {  	s10 =	sld [smem:$0x3FB2]  }
0x39: {  	_ = 	snop;
	(pc) =	sbr.ind lr, $3  }
0x3a: {  	_ = 	snop  }
0x3b: {  	_ = 	snop  }
0x3c: {  	p2 =	seq.s32 s10, $0x1;
	s10 =	sld [smem:$0x3FB1]  }
0x3d: {  	_ =	shalt  }
0x3e: {  	_ =	shalt  }
0x3f: {  	_ =	shalt  }
0x40: {  	_ =	shalt  }
0x41: {  	_ =	shalt  }
0x42: {  	_ =	shalt  }
0x43: {  	_ =	shalt  }
0x44: {  	_ =	shalt  }
0x45: {  	_ =	shalt  }
0x46: {  	_ =	shalt  }
0x47: {  	_ =	shalt  }
0x48: {  	_ =	shalt  }
0x49: {  	_ =	shalt  }
0x4a: {  	_ =	shalt  }
0x4b: {  	_ =	shalt  }
0x4c: {  	_ =	shalt  }
0x4d: {  	_ =	shalt  }
0x4e: {  	_ =	shalt  }
0x4f: {  	_ =	shalt  }
0x50: {  	_ =	shalt  }
0x51: {  	_ =	shalt  }
0x52: {  	_ =	shalt  }
0x53: {  	_ =	shalt  }
0x54: {  	_ =	shalt  }
0x55: {  	_ =	shalt  }
0x56: {  	_ =	shalt  }
0x57: {  	_ =	shalt  }
0x58: {  	_ =	shalt  }
0x59: {  	_ =	shalt  }
0x5a: {  	_ =	shalt  }
0x5b: {  	_ =	shalt  }
0x5c: {  	_ =	shalt  }
0x5d: {  	_ =	shalt  }
0x5e: {  	_ =	shalt  }
0x5f: {  	_ =	shalt  }
0x60: {  	_ =	shalt  }
0x61: {  	_ =	shalt  }
0x62: {  	_ =	shalt  }
0x63: {  	_ =	shalt  }
0x64: {  	_ =	shalt  }
0x65: {  	_ =	shalt  }
0x66: {  	_ =	shalt  }
0x67: {  	_ =	shalt  }
0x68: {  	_ =	shalt  }
0x69: {  	_ =	shalt  }
0x6a: {  	_ =	shalt  }
0x6b: {  	_ =	shalt  }
0x6c: {  	_ =	shalt  }
0x6d: {  	_ =	shalt  }
0x6e: {  	_ =	shalt  }
0x6f: {  	_ =	shalt  }
0x70: {  	_ =	shalt  }
0x71: {  	_ =	shalt  }
0x72: {  	_ =	shalt  }
0x73: {  	_ =	shalt  }
0x74: {  	_ =	shalt  }
0x75: {  	_ =	shalt  }
0x76: {  	_ =	shalt  }
0x77: {  	_ =	shalt  }
0x78: {  	_ =	shalt  }
0x79: {  	_ =	shalt  }
0x7a: {  	_ =	shalt  }
0x7b: {  	_ =	shalt  }
0x7c: {  	_ =	shalt  }
0x7d: {  	_ =	shalt  }
0x7e: {  	_ =	shalt  }
0x7f: {  	_ =	shalt  }
0x80: {  	_ =	shalt  }
0x81: {  	_ =	shalt  }
0x82: {  	_ =	shalt  }
0x83: {  	_ =	shalt  }
0x84: {  	_ =	shalt  }
0x85: {  	_ =	shalt  }
0x86: {  	_ =	shalt  }
0x87: {  	_ =	shalt  }
.Lfunc_end0:
.L_simem_size_0:
called_computation_lowered:
.L_overlay_start_0:
0x88: {  	s2 =	sld [smem:$0x3FD9]  }
0x89: {  	s3 =	sld [smem:$0x3FFE];
	_ =	sdelay $0x1  }
0x8a: {  	s1 =	srdreg.scid  }
0x8b: {  	s0 =	sand.u32 $0x1, s1  }
0x8c: {  	s17 =	sshll.u32 s0, $0xA;
	s2 =	sadd.s32 s3, s2  }
0x8d: {  	s2 =	sadd.s32 s2, s17  }
0x8e: {  	[smem:$0x3FBD] =	sst s2  }
0x8f: {  	_ = 	snop  }
0x90: {  	s2 =	sld [smem:$0x3FC7]  }
0x91: {  	s18 =	sld [smem:$0x3FD0];
	(tm) =	ssettm $0x1  }
0x92: {  	s4 =	sld [smem:$0x3FFB];
	_ =	sdelay $0x3  }
0x93: {  	_ =	strace s4  }
0x94: {  	s4 =	sld [smem:$0x3FFC];
	_ =	sdelay $0x3  }
0x95: {  	_ =	strace s4  }
0x96: {  	s4 =	sld [smem:$0x3FFD];
	_ =	sdelay $0x3  }
0x97: {  	_ =	strace s4  }
0x98: {  	_ =	strace $0x8FFFFFFF  }
0x99: {  	s19 =	sld [smem:$0x3FDB];
	_ =	sdelay $0x1  }
0x9a: {  	s5 =	simm.s32 $_scs_section_size  }
0x9b: {  	s6 =	simm.s32 $_size__tile_overlayer_lowered;
	s7 =	simm.s32 $_tile_overlayer_lowered  }
0x9c: {  	s22 =	simm.s32 $0x1BFF;
	s21 =	sshll.u32 s7, $0x1;
	s4 =	sadd.s32 s5, s19  }
0x9d: {  	s8 =	simm.s32 $0x0;
	s20 =	sshll.u32 s6, $0x1;
	s6 =	sadd.s32 s21, s4  }
0x9e: {  	[timem:s8], [sflag:s22] =	dma.local [hbm:s6], s20  }
0x9f: {  	_ =	swait.ge [sflag:s22], s20  }
0xa0: {  	s5 =	ssub.s32 $0x0, s20;
	[sflag:s22] =	ssyncset.done $0x0  }
0xa1: {  	[sflag:s22] =	ssyncadd.s32 s5;
	_ =	sdelay $0x1  }
0xa2: {  	s23 =	simm.s32 $0x1B8B  }
0xa3: {  	_ =	swait.ge [sflag:s23], $0x1  }
0xa4: {  	[sflag:s23] =	ssyncset.done $0x0  }
0xa5: {  	s25 =	simm.s32 $0x1B8E;
	s24 =	sld [smem:$0x3FFE];
	[sflag:s23] =	ssyncadd.s32 $0xFFFFFFFF  }
0xa6: {  	s26 =	simm.s32 $execute0_lowered;
	[smem:$0x3FD2] =	sst s25  }
0xa7: {  	s6 =	sshll.u32 s26, $0x1;
	_ =	strace $0x80000046;
	[dreg:$0x1] =	wrdreg $0xFFFFFFFF  }
0xa8: {  	s28 =	simm.s32 $_size_execute0_lowered;
	s4 =	sadd.s32 s4, s6;
	[dreg:$0x0] =	wrdreg $0x0  }
0xa9: {  	s6 =	sshll.u32 s28, $0x1;
	[dreg:$0x2] =	wrdreg s4  }
0xaa: {  	[dreg:$0x3] =	wrdreg s6  }
0xab: {  	[dreg:$0x4] =	wrdreg $0xC0  }
0xac: {  	_ =	task [dreg:s8], $0x5FFFF  }
0xad: {  	[dreg:$0x1] =	wrdreg $0xFFFFFFFF  }
0xae: {  	[dreg:$0x0] =	wrdreg $0x60  }
0xaf: {  	[dreg:$0x2] =	wrdreg s24  }
0xb0: {  	[dreg:$0x3] =	wrdreg s2  }
0xb1: {  	[dreg:$0x4] =	wrdreg s18  }
0xb2: {  	[dreg:$0x5] =	wrdreg $0x40800  }
0xb3: {  	[dreg:$0x6] =	wrdreg $0x9  }
0xb4: {  	_ =	task.clear_ibuf [dreg:s8], $0x7FFFF;
	_ =	strace $0x90000046  }
0xb5: {  	s29 =	simm.s32 $0x9;
	_ =	strace $0x80000048  }
0xb6: {  	_ =	swait.ge [sflag:s29], $0x1  }
0xb7: {  	[sflag:s29] =	ssyncadd.s32 $0xFFFFFFFF  }
0xb8: {  	_ =	strace $0x90000048  }
0xb9: {  	_ =	sfence  }
0xba: {  	s30 =	sld [smem:$0x0];
	_ =	sdelay $0x2  }
0xbb: {  	s31 =	sshll.u32 s1, $0xD;
	s1 =	sshrl.u32 s1, $0x2  }
0xbc: {  	s3 =	sand.u32 $0x4000, s31;
	s1 =	sadd.s32 s1, s30  }
0xbd: {  	s0 =	sor.u32 s3, s0;
	s1 =	sshll.u32 s1, $0x11  }
0xbe: {  	s0 =	sor.u32 s1, s0  }
0xbf: {  	s0 =	sadd.s32 $0x8F2B, s0  }
0xc0: {  	[sflag:s0] =	ssyncadd.remote.s32 $0x1  }
0xc1: {  	_ =	sfence.sel $0xFFFF  }
0xc2: {  	[dreg:$0x0] =	wrdreg $0xFFFFFFFF;
	(pc) =	sbr.abs _section_cstart, $3  }
0xc3: {  	[dreg:$0x1] =	wrdreg $0xFFFFFFFF  }
0xc4: {  	_ =	task.clear_ibuf [dreg:s8], $0x2FFFF;
	_ =	strace $0x9FFFFFFF  }
0xc5: {  	(tm) =	ssettm $0x7FFFFFFF  }
tec
execute0_lowered:
.L_overlay_start_1:
0x0: {  	(tag) =	ssettag $0x1  }
0x1: {  	s4 =	rddreg [dreg:$0x0]  }
0x2: {  	s8 =	rddreg [dreg:$0x1]  }
0x3: {  	s1 =	rddreg [dreg:$0x2]  }
0x4: {  	s2 =	rddreg [dreg:$0x3]  }
0x5: {  	s0 =	rddreg [dreg:$0x4];
	s3 =	simm.s32 $0x0;
	s5 =	srdreg.scid  }
0x6: {  	s12 =	stileid.u32;
	[smem:$0x7FF] =	sst s3;
	s9 =	sand.u32 $0x1, s5  }
0x7: {  	s31 =	sshll.u32 s12, $0xB;
	s15 =	sshll.u32 s12, $0x4;
	p0 =	sne.s32 s12, $0x0  }
0x8: {  	_ =	strace $0x80000047;
	s10 =	sshll.u32 s9, $0xF;
	s5 =	sshll.u32 s9, $0xC  }
0x9: {  	s6 =	ssub.s32 $0x2, s9;
	s14 =	sshll.u32 s9, $0x4;
	s9 =	sshll.u32 s9, $0x8  }
0xa: {  	s11 =	sadd.s32 s10, s4;
	s7 =	sadd.s32 s5, s4;
	s30 =	sshrl.u32 s6, $0x1  }
0xb: {  	s4 =	sadd.s32 $0x187000, s4;
	s5 =	sadd.s32 $0x30D0, s8;
	s9 =	sadd.s32 s9, s8  }
0xc: {  	s10 =	sor.u32 s10, s31;
	s13 =	ssub.s32 s6, s30;
	s6 =	sadd.s32 $0x187200, s7  }
0xd: {  	s11 =	sadd.s32 s31, s11;
	s9 =	sadd.s32 s15, s9;
	s7 =	smax.u32 s13, $0x1  }
0xe: {  	s8 =	sadd.s32 $0x800, s11;
	s11 =	sor.u32 s14, s12;
	s12 =	sshrl.u32 @!p0 s2, $0x3  }
.LBB2_1:
0xf: {  	s13 =	simm.s32 @!p0 $0x1C01  }
0x10: {  	[spmem:s12], [sflag:s13] =	dma.local @!p0 [hbm:s1], $0x1000  }
0x11: {  	s13 =	simm.s32 @!p0 $0x1  }
0x12: {  	_ =	swait.ge @!p0 [sflag:s13], $0x1000  }
0x13: {  	p1 =	sgt.u32 s11, $0x30C;
	[sflag:s13] =	ssyncset.done @!p0 $0x0  }
0x14: {  	s14 =	simm.s32 @!p1 $0x0;
	[sflag:s13] =	ssyncadd.s32 @!p0 $0xFFFFF000  }
0x15: {  	s15 =	simm.s32 @!p1 $0x2;
	s13 =	sadd.s32 @!p1 $0x0, s8;
	[bflag:$0x0] =	sbarrier.arrive $0xFFFF  }
0x16: {  	[tilespmem:s14], [sflag:$0x2] =	stream.linear.gather @!p1 [hbm4b:s13+s14], $0x4000, $0x38;
	[tilespmem:$0x4880] =	vst v63  }
0x17: {  	_ =	swait.ge @!p1 [sflag:s15], $0x4000  }
0x18: {  	[sflag:s15] =	ssyncset.done @!p1 $0x0  }
0x19: {  	s13 =	simm.s32 @!p1 $0x4000;
	[sflag:s15] =	ssyncadd.s32 @!p1 $0xFFFFC000  }
0x1a: {  	[tilespmem:s13], [sflag:$0x2] =	stream.linear.gather @!p1 [hbm4b:s9+s14], $0x80, $0x38;
	[tilespmem:$0x4880] =	vst v63  }
0x1b: {  	_ =	swait.ge @!p1 [sflag:s15], $0x80  }
0x1c: {  	[sflag:s15] =	ssyncset.done @!p1 $0x0  }
0x1d: {  	s16 =	sadd.s32 $0x0, s10;
	s17 =	simm.s32 @!p1 $0x80;
	[sflag:s15] =	ssyncadd.s32 @!p1 $0xFFFFFF80  }
0x1e: {  	[spmem:s2] =	stream.indirect.scatter.add.f32 @!p1 [tilespmem:s14], [sflag:$0x2], $0x80, s13, s17, $0xb8;
	[tilespmem:$0x4880] =	vst v63  }
0x1f: {  	s31 =	sadd.s32 $0xFFE79800, s16;
	_ =	swait.ge @!p1 [sflag:s15], $0x4000  }
0x20: {  	p2 =	sne.s32 s31, $0x0;
	[sflag:s15] =	ssyncset.done @!p1 $0x0  }
0x21: {  	s14 =	simm.s32 @!p2 $0x0;
	[sflag:s15] =	ssyncadd.s32 @!p1 $0xFFFFC000;
	s15 =	simm.s32 @!p2 $0x2  }
0x22: {  	[tilespmem:s14], [sflag:$0x2] =	stream.linear.gather @!p2 [hbm4b:s4+s14], $0x1000, $0x38;
	[tilespmem:$0x4880] =	vst v63  }
0x23: {  	_ =	swait.ge @!p2 [sflag:s15], $0x1000  }
0x24: {  	[sflag:s15] =	ssyncset.done @!p2 $0x0  }
0x25: {  	s16 =	simm.s32 @!p2 $0x4000;
	[sflag:s15] =	ssyncadd.s32 @!p2 $0xFFFFF000  }
0x26: {  	[tilespmem:s16], [sflag:$0x2] =	stream.linear.gather @!p2 [hbm4b:s5+s14], $0x20, $0x38;
	[tilespmem:$0x4880] =	vst v63  }
0x27: {  	_ =	swait.ge @!p2 [sflag:s15], $0x20  }
0x28: {  	[sflag:s15] =	ssyncset.done @!p2 $0x0  }
0x29: {  	s13 =	simm.s32 $0x10000;
	[sflag:s15] =	ssyncadd.s32 @!p2 $0xFFFFFFE0;
	s15 =	simm.s32 @!p2 $0x20  }
0x2a: {  	[spmem:s2] =	stream.indirect.scatter.add.f32 @!p2 [tilespmem:s14], [sflag:$0x1], $0x80, s16, s15, $0xb8;
	[tilespmem:$0x4880] =	vst v63  }
0x2b: {  	s17 =	simm.s32 @!p2 $0x1;
	s15 =	simm.s32 $0x20000;
	s16 =	sadd.s32 $0x20, s11  }
0x2c: {  	s14 =	sadd.s32 $0x200, s9;
	p1 =	sgt.u32 s16, $0x30C;
	_ =	swait.ge @!p2 [sflag:s17], $0x1000  }
.LBB2_2:
0x2d: {  	s18 =	sadd.s32 @!p1 s13, s8  }
0x2e: {  	s19 =	simm.s32 @!p1 $0x0;
	[sflag:s17] =	ssyncset.done @!p2 $0x0;
	s20 =	smov.u32 s15  }
0x2f: {  	s15 =	sadd.s32 $0x10000, s15;
	s21 =	simm.s32 @!p1 $0x2;
	[sflag:s17] =	ssyncadd.s32 @!p2 $0xFFFFF000  }
0x30: {  	[tilespmem:s19], [sflag:$0x2] =	stream.linear.gather @!p1 [hbm4b:s18+s19], $0x4000, $0x38;
	[tilespmem:$0x4880] =	vst v63  }
0x31: {  	p3 =	sne.s32 s15, $0x190000;
	_ =	swait.ge @!p1 [sflag:s21], $0x4000  }
0x32: {  	[sflag:s21] =	ssyncset.done @!p1 $0x0  }
0x33: {  	s17 =	simm.s32 @!p1 $0x4000;
	[sflag:s21] =	ssyncadd.s32 @!p1 $0xFFFFC000  }
0x34: {  	[tilespmem:s17], [sflag:$0x2] =	stream.linear.gather @!p1 [hbm4b:s14+s19], $0x80, $0x38;
	[tilespmem:$0x4880] =	vst v63  }
0x35: {  	_ =	swait.ge @!p1 [sflag:s21], $0x80  }
0x36: {  	[sflag:s21] =	ssyncset.done @!p1 $0x0  }
0x37: {  	s13 =	sadd.s32 s13, s10;
	s18 =	simm.s32 @!p1 $0x80;
	[sflag:s21] =	ssyncadd.s32 @!p1 $0xFFFFFF80  }
0x38: {  	[spmem:s2] =	stream.indirect.scatter.add.f32 @!p1 [tilespmem:s19], [sflag:$0x2], $0x80, s17, s18, $0xb8;
	[tilespmem:$0x4880] =	vst v63  }
0x39: {  	s17 =	sadd.s32 $0xFFE79800, s13;
	s13 =	smov.u32 s20;
	_ =	swait.ge @!p1 [sflag:s21], $0x4000  }
0x3a: {  	p2 =	sne.s32 s17, $0x0;
	[sflag:s21] =	ssyncset.done @!p1 $0x0  }
0x3b: {  	s18 =	simm.s32 @!p2 $0x0;
	s17 =	simm.s32 @!p2 $0x2;
	[sflag:s21] =	ssyncadd.s32 @!p1 $0xFFFFC000  }
0x3c: {  	[tilespmem:s18], [sflag:$0x2] =	stream.linear.gather @!p2 [hbm4b:s4+s18], $0x1000, $0x38;
	[tilespmem:$0x4880] =	vst v63  }
0x3d: {  	_ =	swait.ge @!p2 [sflag:s17], $0x1000  }
0x3e: {  	[sflag:s17] =	ssyncset.done @!p2 $0x0  }
0x3f: {  	s19 =	simm.s32 @!p2 $0x4000;
	[sflag:s17] =	ssyncadd.s32 @!p2 $0xFFFFF000  }
0x40: {  	[tilespmem:s19], [sflag:$0x2] =	stream.linear.gather @!p2 [hbm4b:s5+s18], $0x20, $0x38;
	[tilespmem:$0x4880] =	vst v63  }
.Ltmp0:
0x41: {  	_ =	swait.ge @!p2 [sflag:s17], $0x20;
	(pc) =	sbr.rel @p3 .LBB2_2-.Ltmp0, $4  }
0x42: {  	s16 =	sadd.s32 $0x20, s16;
	[sflag:s17] =	ssyncset.done @!p2 $0x0  }
0x43: {  	s20 =	simm.s32 @!p2 $0x20;
	[sflag:s17] =	ssyncadd.s32 @!p2 $0xFFFFFFE0;
	s17 =	simm.s32 @!p2 $0x1  }
0x44: {  	[spmem:s2] =	stream.indirect.scatter.add.f32 @!p2 [tilespmem:s18], [sflag:$0x1], $0x80, s19, s20, $0xb8;
	[tilespmem:$0x4880] =	vst v63  }
0x45: {  	s14 =	sadd.s32 $0x200, s14;
	p1 =	sgt.u32 s16, $0x30C;
	_ =	swait.ge @!p2 [sflag:s17], $0x1000  }
0x46: {  	s15 =	sadd.s32 @!p1 s13, s8;
	[sflag:s17] =	ssyncset.done @!p2 $0x0  }
0x47: {  	s16 =	simm.s32 @!p1 $0x0;
	s18 =	simm.s32 @!p1 $0x2;
	[sflag:s17] =	ssyncadd.s32 @!p2 $0xFFFFF000  }
0x48: {  	[tilespmem:s16], [sflag:$0x2] =	stream.linear.gather @!p1 [hbm4b:s15+s16], $0x4000, $0x38;
	[tilespmem:$0x4880] =	vst v63  }
0x49: {  	_ =	swait.ge @!p1 [sflag:s18], $0x4000  }
0x4a: {  	[sflag:s18] =	ssyncset.done @!p1 $0x0  }
0x4b: {  	s15 =	simm.s32 @!p1 $0x4000;
	[sflag:s18] =	ssyncadd.s32 @!p1 $0xFFFFC000  }
0x4c: {  	[tilespmem:s15], [sflag:$0x2] =	stream.linear.gather @!p1 [hbm4b:s14+s16], $0x80, $0x38;
	[tilespmem:$0x4880] =	vst v63  }
0x4d: {  	_ =	swait.ge @!p1 [sflag:s18], $0x80  }
0x4e: {  	[sflag:s18] =	ssyncset.done @!p1 $0x0  }
0x4f: {  	s31 =	sadd.s32 s13, s10;
	s14 =	simm.s32 @!p1 $0x80;
	[sflag:s18] =	ssyncadd.s32 @!p1 $0xFFFFFF80  }
0x50: {  	[spmem:s2] =	stream.indirect.scatter.add.f32 @!p1 [tilespmem:s16], [sflag:$0x2], $0x80, s15, s14, $0xb8;
	[tilespmem:$0x4880] =	vst v63  }
0x51: {  	s13 =	sadd.s32 $0xFFE79800, s31;
	_ =	swait.ge @!p1 [sflag:s18], $0x4000  }
0x52: {  	p2 =	sne.s32 s13, $0x0;
	[sflag:s18] =	ssyncset.done @!p1 $0x0  }
0x53: {  	s13 =	simm.s32 @!p2 $0x0;
	s14 =	simm.s32 @!p2 $0x2;
	[sflag:s18] =	ssyncadd.s32 @!p1 $0xFFFFC000  }
0x54: {  	[tilespmem:s13], [sflag:$0x2] =	stream.linear.gather @!p2 [hbm4b:s4+s13], $0x1000, $0x38;
	[tilespmem:$0x4880] =	vst v63  }
0x55: {  	_ =	swait.ge @!p2 [sflag:s14], $0x1000  }
0x56: {  	[sflag:s14] =	ssyncset.done @!p2 $0x0  }
0x57: {  	s15 =	simm.s32 @!p2 $0x4000;
	[sflag:s14] =	ssyncadd.s32 @!p2 $0xFFFFF000  }
0x58: {  	[tilespmem:s15], [sflag:$0x2] =	stream.linear.gather @!p2 [hbm4b:s5+s13], $0x20, $0x38;
	[tilespmem:$0x4880] =	vst v63  }
0x59: {  	_ =	swait.ge @!p2 [sflag:s14], $0x20  }
0x5a: {  	[sflag:s14] =	ssyncset.done @!p2 $0x0  }
0x5b: {  	s16 =	simm.s32 @!p2 $0x1;
	[sflag:s14] =	ssyncadd.s32 @!p2 $0xFFFFFFE0;
	s14 =	simm.s32 @!p2 $0x20  }
0x5c: {  	[spmem:s2] =	stream.indirect.scatter.add.f32 @!p2 [tilespmem:s13], [sflag:$0x1], $0x80, s15, s14, $0xb8;
	[tilespmem:$0x4880] =	vst v63  }
0x5d: {  	_ =	swait.ge @!p2 [sflag:s16], $0x1000  }
0x5e: {  	[sflag:s16] =	ssyncset.done @!p2 $0x0  }
0x5f: {  	s3 =	sadd.s32 $0x1, s3;
	[sflag:s16] =	ssyncadd.s32 @!p2 $0xFFFFF000  }
0x60: {  	p1 =	sne.s32 s3, s7;
	s13 =	simm.s32 @!p0 $0x1C01;
	[bflag:$0x0] =	sbarrier.arrive $0xFFFF  }
0x61: {  	[hbm:s6], [sflag:s13] =	dma.local @!p0 [spmem:s12], $0x1000  }
.Ltmp1:
0x62: {  	_ = 	snop;
	(pc) =	sbr.rel @p1 .LBB2_1-.Ltmp1, $4  }
0x63: {  	s13 =	simm.s32 @!p0 $0x1  }
0x64: {  	_ =	swait.ge @!p0 [sflag:s13], $0x1000  }
0x65: {  	[sflag:s13] =	ssyncset.done @!p0 $0x0  }
0x66: {  	[sflag:s13] =	ssyncadd.s32 @!p0 $0xFFFFF000  }
0x67: {  	_ =	sfence.sel $0x180000  }
0x68: {  	[bflag:$0x0] =	sbarrier.arrive $0xFFFF  }
0x69: {  	_ =	strace $0x90000047  }
0x6a: {  	s0 =	sadd.s32 @!p0 $0x100000, s0;
	[bflag:$0x2] =	sbarrier.arrive $0xFFFF  }
0x6b: {  	[sflag:s0] =	ssyncadd.tile.s32 @!p0 $0x1;
	_ =	shalt  }
.Lfunc_end2:
_tile_overlayer_lowered:
.L_overlay_start_2:
0x6c: {  	(tag) =	ssettag $0x2  }
0x6d: {  	s0 =	rddreg [dreg:$0x0];
	s2 =	stileid.u32  }
0x6e: {  	s1 =	rddreg [dreg:$0x1];
	p0 =	sne.s32 s2, $0x0  }
0x6f: {  	s3 =	rddreg [dreg:$0x2];
	[bflag:$0x3] =	sbarrier.arrive $0xFFFF;
	s2 =	simm.s32 @!p0 $0x1C01  }
0x70: {  	[timem:s3], [sflag:s2] =	dma.local @!p0 [hbm:s0], s1  }
0x71: {  	s0 =	simm.s32 @!p0 $0x1  }
0x72: {  	_ =	swait.ge @!p0 [sflag:s0], s1  }
0x73: {  	s1 =	ssub.s32 @!p0 $0x0, s1;
	[sflag:s0] =	ssyncset.done @!p0 $0x0  }
0x74: {  	[sflag:s0] =	ssyncadd.s32 @!p0 s1  }
0x75: {  	[bflag:$0x3] =	sbarrier.arrive $0xFFFF  }
0x76: {  	_ =	shalt  }

</sc_bundles>
